<compile_context>
chip_gen: v7x
topology: tpu7x:2x2x1
jax: 0.10.2.dev20260603
libtpu: 0.0.44.dev20260713+nightly
codegen_flags: <defaults>
</compile_context>

<pallas_src>
import functools

import jax
import jax.numpy as jnp
from jax import lax
from jax.experimental import pallas as pl
from jax.experimental.pallas import tpu as pltpu
from jax.experimental.pallas import tpu_sc as plsc

NC = 2
NS = 16
NW = NC * NS
LANES = 16

SEQ = 200
EMB = 32
ROWS_PER_CHUNK = 4
CHUNK = ROWS_PER_CHUNK * SEQ
GPIECE = 80
NPIECE = CHUNK // GPIECE


@functools.lru_cache(maxsize=None)
def _make(batch: int):
  n_tokens = batch * SEQ
  rows_per_w = batch // NW
  n_chunks = rows_per_w // ROWS_PER_CHUNK

  mesh = plsc.VectorSubcoreMesh(core_axis_name="c", subcore_axis_name="s")

  @functools.partial(
      pl.kernel,
      out_type=jax.ShapeDtypeStruct((n_tokens, EMB), jnp.float32),
      mesh=mesh,
      scratch_types=[
          pltpu.VMEM((CHUNK,), jnp.int32),
          pltpu.VMEM((CHUNK, EMB), jnp.float32),
          pltpu.VMEM((SEQ * EMB,), jnp.float32),
          pltpu.SemaphoreType.DMA,
      ],
      compiler_params=pltpu.CompilerParams(use_tc_tiling_on_sc=False),
  )
  def body(idx_hbm, table_hbm, pos_hbm, out_hbm, idx_v, rows_v, pos_v, sem):
    wid = lax.axis_index("s") * NC + lax.axis_index("c")
    pltpu.sync_copy(pos_hbm, pos_v)
    base = wid * rows_per_w * SEQ

    def chunk_body(c, carry):
      tok0 = base + c * CHUNK
      pltpu.sync_copy(idx_hbm.at[pl.ds(tok0, CHUNK)], idx_v)
      cps = [
          pltpu.async_copy(
              table_hbm.at[idx_v.at[pl.ds(g * GPIECE, GPIECE)]],
              rows_v.at[pl.ds(g * GPIECE, GPIECE)],
              sem,
          )
          for g in range(NPIECE)
      ]
      for cp in cps:
        cp.wait()

      def s_body(s, carry2):
        p0 = pos_v[pl.ds(s * EMB, LANES)]
        p1 = pos_v[pl.ds(s * EMB + LANES, LANES)]
        for r in range(ROWS_PER_CHUNK):
          t = r * SEQ + s
          rows_v[t, pl.ds(0, LANES)] = rows_v[t, pl.ds(0, LANES)] + p0
          rows_v[t, pl.ds(LANES, LANES)] = rows_v[t, pl.ds(LANES, LANES)] + p1
        return carry2

      lax.fori_loop(0, SEQ, s_body, 0)
      pltpu.sync_copy(rows_v, out_hbm.at[pl.ds(tok0, CHUNK)])
      return carry

    lax.fori_loop(0, n_chunks, chunk_body, 0)

  return body


def kernel(inputs, token_table, pos_table):
  batch, seq = inputs.shape
  flat_idx = inputs.reshape(-1).astype(jnp.int32)
  out = _make(batch)(flat_idx, token_table, pos_table.reshape(-1))
  return out.reshape(batch, seq, EMB)

# --- scband reference (transcript-rebuilt; emitter-appended) ---
"""Pipeline reference for scband-positional-embedding-20177756356971 (READ-ONLY COPY).

The authoritative reference and input builder live on the scoring server;
editing this copy changes nothing except your own understanding.
"""

import jax, jax.numpy as jnp
import numpy as np

VOCAB_SIZE = 1000000
SEQ_LEN = 200
EMBED_DIM = 32
BATCH = 16384

def setup_inputs(seed: int = 0) -> dict:
    key = jax.random.key(seed)
    k1, k2, k3 = jax.random.split(key, 3)
    inputs = jax.random.randint(k1, (BATCH, SEQ_LEN), 0, VOCAB_SIZE, dtype=jnp.int64 if jax.config.jax_enable_x64 else jnp.int32)
    token_table = jax.random.normal(k2, (VOCAB_SIZE, EMBED_DIM), dtype=jnp.float32) * 0.02
    pos_table = jax.random.normal(k3, (SEQ_LEN, EMBED_DIM), dtype=jnp.float32) * 0.02
    return {"inputs": inputs, "token_table": token_table, "pos_table": pos_table}

def reference(inputs, token_table, pos_table):
    length = inputs.shape[-1]
    positions = jnp.arange(0, length, 1)
    embedded_tokens = jnp.take(token_table, inputs, axis=0)
    embedded_positions = jnp.take(pos_table, positions, axis=0)
    return embedded_tokens + embedded_positions

if __name__ == "__main__":
    import jax
    _d = setup_inputs()
    print(jax.jit(kernel)(*tuple(_d.values())))

</pallas_src>

<mosaic_0001>
#map = affine_map<(d0, d1) -> (0)>
#map1 = affine_map<(d0, d1) -> (0, 0)>
module attributes {stable_mosaic.version = 14 : i64} {
  func.func @body(%arg0: i32, %arg1: i32, %arg2: memref<3276800xi32, #tpu.memory_space<hbm>>, %arg3: memref<1000000x32xf32, #tpu.memory_space<hbm>>, %arg4: memref<6400xf32, #tpu.memory_space<hbm>>, %arg5: memref<3276800x32xf32, #tpu.memory_space<hbm>>, %arg6: memref<800xi32, #tpu.memory_space<vmem>>, %arg7: memref<800x32xf32, #tpu.memory_space<vmem>>, %arg8: memref<6400xf32, #tpu.memory_space<vmem>>, %arg9: memref<!tpu.dma_semaphore, #tpu.memory_space<semaphore_mem>>) attributes {dimension_semantics = [#tpu.dimension_semantics<core_parallel>, #tpu.dimension_semantics<subcore_parallel>], iteration_bounds = array<i64: 2, 16>, scalar_prefetch = 0 : i64, scratch_operands = 4 : i64, tpu.core_type = #tpu.core_type<sc_vector_subcore>, window_params = [{transform_indices = #map}, {transform_indices = #map1}, {transform_indices = #map}, {transform_indices = #map1}]} {
    %mul3A = arith.constant 2 : i32
    %mul3A_0 = arith.muli %arg1, %mul3A : i32
    %add3A = arith.addi %mul3A_0, %arg0 : i32
    "tpu.region"() ({
      %run_scoped3A = tpu.sem_alloc : memref<!tpu.dma_semaphore, #tpu.memory_space<semaphore_mem>>
      tpu.enqueue_dma source(%arg4 : memref<6400xf32, #tpu.memory_space<hbm>>) target(%arg8 : memref<6400xf32, #tpu.memory_space<vmem>>) target_semaphore(%run_scoped3A : memref<!tpu.dma_semaphore, #tpu.memory_space<semaphore_mem>>)
      tpu.wait_dma2 semaphore(%run_scoped3A : memref<!tpu.dma_semaphore, #tpu.memory_space<semaphore_mem>>) src(%arg4 : memref<6400xf32, #tpu.memory_space<hbm>>) dst(%arg8 : memref<6400xf32, #tpu.memory_space<vmem>>)
      tpu.yield
    }) : () -> ()
    %mul3A_1 = arith.constant 512 : i32
    %mul3A_2 = arith.muli %add3A, %mul3A_1 : i32
    %mul3A_3 = arith.constant 200 : i32
    %mul3A_4 = arith.muli %mul3A_2, %mul3A_3 : i32
    %scan3A = arith.constant 0 : i32
    %scan3A_5 = arith.constant 0 : i32
    %scan3A_6 = arith.constant 128 : i32
    %scan3A_7 = arith.addi %scan3A_5, %scan3A_6 : i32
    %scan3A_8 = arith.constant 1 : i32
    scf.for %scan3A_10 = %scan3A_5 to %scan3A_7 step %scan3A_8  : i32 {
      %mul3A_11 = arith.constant 800 : i32
      %mul3A_12 = arith.muli %scan3A_10, %mul3A_11 : i32
      %add3A_13 = arith.addi %mul3A_4, %mul3A_12 : i32
      "tpu.region"() ({
        %run_scoped3A = tpu.sem_alloc : memref<!tpu.dma_semaphore, #tpu.memory_space<semaphore_mem>>
        %dma_start3A_178 = tpu.memref_slice %arg2[%add3A_13] : memref<3276800xi32, #tpu.memory_space<hbm>> -> memref<800xi32, #tpu.memory_space<hbm>>
        %dma_start3A_179 = tpu.memref_slice %arg2[%add3A_13] : memref<3276800xi32, #tpu.memory_space<hbm>> -> memref<800xi32, #tpu.memory_space<hbm>>
        tpu.enqueue_dma source(%dma_start3A_179 : memref<800xi32, #tpu.memory_space<hbm>>) target(%arg6 : memref<800xi32, #tpu.memory_space<vmem>>) target_semaphore(%run_scoped3A : memref<!tpu.dma_semaphore, #tpu.memory_space<semaphore_mem>>)
        %dma_wait3A_180 = tpu.memref_slice %arg2[%add3A_13] : memref<3276800xi32, #tpu.memory_space<hbm>> -> memref<800xi32, #tpu.memory_space<hbm>>
        %dma_wait3A_181 = tpu.memref_slice %arg2[%add3A_13] : memref<3276800xi32, #tpu.memory_space<hbm>> -> memref<800xi32, #tpu.memory_space<hbm>>
        tpu.wait_dma2 semaphore(%run_scoped3A : memref<!tpu.dma_semaphore, #tpu.memory_space<semaphore_mem>>) src(%dma_wait3A_181 : memref<800xi32, #tpu.memory_space<hbm>>) dst(%arg6 : memref<800xi32, #tpu.memory_space<vmem>>)
        tpu.yield
      }) : () -> ()
      %dma_start3A = arith.constant 0 : i32
      %dma_start3A_14 = arith.constant 0 : i32
      %dma_start3A_15 = tpu.memref_slice %arg7[%dma_start3A, %dma_start3A_14] : memref<800x32xf32, #tpu.memory_space<vmem>> -> memref<80x32xf32, #tpu.memory_space<vmem>>
      %dma_start3A_16 = arith.constant 0 : i32
      %dma_start3A_17 = tpu.memref_slice %arg6[%dma_start3A_16] : memref<800xi32, #tpu.memory_space<vmem>> -> memref<80xi32, #tpu.memory_space<vmem>>
      %dma_start3A_18 = arith.constant 0 : i32
      %dma_start3A_19 = arith.constant 0 : i32
      %dma_start3A_20 = tpu.memref_slice %arg3[%dma_start3A_18, %dma_start3A_19] : memref<1000000x32xf32, #tpu.memory_space<hbm>> -> memref<1000000x32xf32, #tpu.memory_space<hbm>>
      tpu.enqueue_indirect_dma source(%dma_start3A_20 : memref<1000000x32xf32, #tpu.memory_space<hbm>>) target(%dma_start3A_15 : memref<80x32xf32, #tpu.memory_space<vmem>>) offsets(%dma_start3A_17 : memref<80xi32, #tpu.memory_space<vmem>>) semaphore(%arg9 : memref<!tpu.dma_semaphore, #tpu.memory_space<semaphore_mem>>)
      %dma_start3A_21 = arith.constant 80 : i32
      %dma_start3A_22 = arith.constant 0 : i32
      %dma_start3A_23 = tpu.memref_slice %arg7[%dma_start3A_21, %dma_start3A_22] : memref<800x32xf32, #tpu.memory_space<vmem>> -> memref<80x32xf32, #tpu.memory_space<vmem>>
      %dma_start3A_24 = arith.constant 80 : i32
      %dma_start3A_25 = tpu.memref_slice %arg6[%dma_start3A_24] : memref<800xi32, #tpu.memory_space<vmem>> -> memref<80xi32, #tpu.memory_space<vmem>>
      %dma_start3A_26 = arith.constant 0 : i32
      %dma_start3A_27 = arith.constant 0 : i32
      %dma_start3A_28 = tpu.memref_slice %arg3[%dma_start3A_26, %dma_start3A_27] : memref<1000000x32xf32, #tpu.memory_space<hbm>> -> memref<1000000x32xf32, #tpu.memory_space<hbm>>
      tpu.enqueue_indirect_dma source(%dma_start3A_28 : memref<1000000x32xf32, #tpu.memory_space<hbm>>) target(%dma_start3A_23 : memref<80x32xf32, #tpu.memory_space<vmem>>) offsets(%dma_start3A_25 : memref<80xi32, #tpu.memory_space<vmem>>) semaphore(%arg9 : memref<!tpu.dma_semaphore, #tpu.memory_space<semaphore_mem>>)
      %dma_start3A_29 = arith.constant 160 : i32
      %dma_start3A_30 = arith.constant 0 : i32
      %dma_start3A_31 = tpu.memref_slice %arg7[%dma_start3A_29, %dma_start3A_30] : memref<800x32xf32, #tpu.memory_space<vmem>> -> memref<80x32xf32, #tpu.memory_space<vmem>>
      %dma_start3A_32 = arith.constant 160 : i32
      %dma_start3A_33 = tpu.memref_slice %arg6[%dma_start3A_32] : memref<800xi32, #tpu.memory_space<vmem>> -> memref<80xi32, #tpu.memory_space<vmem>>
      %dma_start3A_34 = arith.constant 0 : i32
      %dma_start3A_35 = arith.constant 0 : i32
      %dma_start3A_36 = tpu.memref_slice %arg3[%dma_start3A_34, %dma_start3A_35] : memref<1000000x32xf32, #tpu.memory_space<hbm>> -> memref<1000000x32xf32, #tpu.memory_space<hbm>>
      tpu.enqueue_indirect_dma source(%dma_start3A_36 : memref<1000000x32xf32, #tpu.memory_space<hbm>>) target(%dma_start3A_31 : memref<80x32xf32, #tpu.memory_space<vmem>>) offsets(%dma_start3A_33 : memref<80xi32, #tpu.memory_space<vmem>>) semaphore(%arg9 : memref<!tpu.dma_semaphore, #tpu.memory_space<semaphore_mem>>)
      %dma_start3A_37 = arith.constant 240 : i32
      %dma_start3A_38 = arith.constant 0 : i32
      %dma_start3A_39 = tpu.memref_slice %arg7[%dma_start3A_37, %dma_start3A_38] : memref<800x32xf32, #tpu.memory_space<vmem>> -> memref<80x32xf32, #tpu.memory_space<vmem>>
      %dma_start3A_40 = arith.constant 240 : i32
      %dma_start3A_41 = tpu.memref_slice %arg6[%dma_start3A_40] : memref<800xi32, #tpu.memory_space<vmem>> -> memref<80xi32, #tpu.memory_space<vmem>>
      %dma_start3A_42 = arith.constant 0 : i32
      %dma_start3A_43 = arith.constant 0 : i32
      %dma_start3A_44 = tpu.memref_slice %arg3[%dma_start3A_42, %dma_start3A_43] : memref<1000000x32xf32, #tpu.memory_space<hbm>> -> memref<1000000x32xf32, #tpu.memory_space<hbm>>
      tpu.enqueue_indirect_dma source(%dma_start3A_44 : memref<1000000x32xf32, #tpu.memory_space<hbm>>) target(%dma_start3A_39 : memref<80x32xf32, #tpu.memory_space<vmem>>) offsets(%dma_start3A_41 : memref<80xi32, #tpu.memory_space<vmem>>) semaphore(%arg9 : memref<!tpu.dma_semaphore, #tpu.memory_space<semaphore_mem>>)
      %dma_start3A_45 = arith.constant 320 : i32
      %dma_start3A_46 = arith.constant 0 : i32
      %dma_start3A_47 = tpu.memref_slice %arg7[%dma_start3A_45, %dma_start3A_46] : memref<800x32xf32, #tpu.memory_space<vmem>> -> memref<80x32xf32, #tpu.memory_space<vmem>>
      %dma_start3A_48 = arith.constant 320 : i32
      %dma_start3A_49 = tpu.memref_slice %arg6[%dma_start3A_48] : memref<800xi32, #tpu.memory_space<vmem>> -> memref<80xi32, #tpu.memory_space<vmem>>
      %dma_start3A_50 = arith.constant 0 : i32
      %dma_start3A_51 = arith.constant 0 : i32
      %dma_start3A_52 = tpu.memref_slice %arg3[%dma_start3A_50, %dma_start3A_51] : memref<1000000x32xf32, #tpu.memory_space<hbm>> -> memref<1000000x32xf32, #tpu.memory_space<hbm>>
      tpu.enqueue_indirect_dma source(%dma_start3A_52 : memref<1000000x32xf32, #tpu.memory_space<hbm>>) target(%dma_start3A_47 : memref<80x32xf32, #tpu.memory_space<vmem>>) offsets(%dma_start3A_49 : memref<80xi32, #tpu.memory_space<vmem>>) semaphore(%arg9 : memref<!tpu.dma_semaphore, #tpu.memory_space<semaphore_mem>>)
      %dma_start3A_53 = arith.constant 400 : i32
      %dma_start3A_54 = arith.constant 0 : i32
      %dma_start3A_55 = tpu.memref_slice %arg7[%dma_start3A_53, %dma_start3A_54] : memref<800x32xf32, #tpu.memory_space<vmem>> -> memref<80x32xf32, #tpu.memory_space<vmem>>
      %dma_start3A_56 = arith.constant 400 : i32
      %dma_start3A_57 = tpu.memref_slice %arg6[%dma_start3A_56] : memref<800xi32, #tpu.memory_space<vmem>> -> memref<80xi32, #tpu.memory_space<vmem>>
      %dma_start3A_58 = arith.constant 0 : i32
      %dma_start3A_59 = arith.constant 0 : i32
      %dma_start3A_60 = tpu.memref_slice %arg3[%dma_start3A_58, %dma_start3A_59] : memref<1000000x32xf32, #tpu.memory_space<hbm>> -> memref<1000000x32xf32, #tpu.memory_space<hbm>>
      tpu.enqueue_indirect_dma source(%dma_start3A_60 : memref<1000000x32xf32, #tpu.memory_space<hbm>>) target(%dma_start3A_55 : memref<80x32xf32, #tpu.memory_space<vmem>>) offsets(%dma_start3A_57 : memref<80xi32, #tpu.memory_space<vmem>>) semaphore(%arg9 : memref<!tpu.dma_semaphore, #tpu.memory_space<semaphore_mem>>)
      %dma_start3A_61 = arith.constant 480 : i32
      %dma_start3A_62 = arith.constant 0 : i32
      %dma_start3A_63 = tpu.memref_slice %arg7[%dma_start3A_61, %dma_start3A_62] : memref<800x32xf32, #tpu.memory_space<vmem>> -> memref<80x32xf32, #tpu.memory_space<vmem>>
      %dma_start3A_64 = arith.constant 480 : i32
      %dma_start3A_65 = tpu.memref_slice %arg6[%dma_start3A_64] : memref<800xi32, #tpu.memory_space<vmem>> -> memref<80xi32, #tpu.memory_space<vmem>>
      %dma_start3A_66 = arith.constant 0 : i32
      %dma_start3A_67 = arith.constant 0 : i32
      %dma_start3A_68 = tpu.memref_slice %arg3[%dma_start3A_66, %dma_start3A_67] : memref<1000000x32xf32, #tpu.memory_space<hbm>> -> memref<1000000x32xf32, #tpu.memory_space<hbm>>
      tpu.enqueue_indirect_dma source(%dma_start3A_68 : memref<1000000x32xf32, #tpu.memory_space<hbm>>) target(%dma_start3A_63 : memref<80x32xf32, #tpu.memory_space<vmem>>) offsets(%dma_start3A_65 : memref<80xi32, #tpu.memory_space<vmem>>) semaphore(%arg9 : memref<!tpu.dma_semaphore, #tpu.memory_space<semaphore_mem>>)
      %dma_start3A_69 = arith.constant 560 : i32
      %dma_start3A_70 = arith.constant 0 : i32
      %dma_start3A_71 = tpu.memref_slice %arg7[%dma_start3A_69, %dma_start3A_70] : memref<800x32xf32, #tpu.memory_space<vmem>> -> memref<80x32xf32, #tpu.memory_space<vmem>>
      %dma_start3A_72 = arith.constant 560 : i32
      %dma_start3A_73 = tpu.memref_slice %arg6[%dma_start3A_72] : memref<800xi32, #tpu.memory_space<vmem>> -> memref<80xi32, #tpu.memory_space<vmem>>
      %dma_start3A_74 = arith.constant 0 : i32
      %dma_start3A_75 = arith.constant 0 : i32
      %dma_start3A_76 = tpu.memref_slice %arg3[%dma_start3A_74, %dma_start3A_75] : memref<1000000x32xf32, #tpu.memory_space<hbm>> -> memref<1000000x32xf32, #tpu.memory_space<hbm>>
      tpu.enqueue_indirect_dma source(%dma_start3A_76 : memref<1000000x32xf32, #tpu.memory_space<hbm>>) target(%dma_start3A_71 : memref<80x32xf32, #tpu.memory_space<vmem>>) offsets(%dma_start3A_73 : memref<80xi32, #tpu.memory_space<vmem>>) semaphore(%arg9 : memref<!tpu.dma_semaphore, #tpu.memory_space<semaphore_mem>>)
      %dma_start3A_77 = arith.constant 640 : i32
      %dma_start3A_78 = arith.constant 0 : i32
      %dma_start3A_79 = tpu.memref_slice %arg7[%dma_start3A_77, %dma_start3A_78] : memref<800x32xf32, #tpu.memory_space<vmem>> -> memref<80x32xf32, #tpu.memory_space<vmem>>
      %dma_start3A_80 = arith.constant 640 : i32
      %dma_start3A_81 = tpu.memref_slice %arg6[%dma_start3A_80] : memref<800xi32, #tpu.memory_space<vmem>> -> memref<80xi32, #tpu.memory_space<vmem>>
      %dma_start3A_82 = arith.constant 0 : i32
      %dma_start3A_83 = arith.constant 0 : i32
      %dma_start3A_84 = tpu.memref_slice %arg3[%dma_start3A_82, %dma_start3A_83] : memref<1000000x32xf32, #tpu.memory_space<hbm>> -> memref<1000000x32xf32, #tpu.memory_space<hbm>>
      tpu.enqueue_indirect_dma source(%dma_start3A_84 : memref<1000000x32xf32, #tpu.memory_space<hbm>>) target(%dma_start3A_79 : memref<80x32xf32, #tpu.memory_space<vmem>>) offsets(%dma_start3A_81 : memref<80xi32, #tpu.memory_space<vmem>>) semaphore(%arg9 : memref<!tpu.dma_semaphore, #tpu.memory_space<semaphore_mem>>)
      %dma_start3A_85 = arith.constant 720 : i32
      %dma_start3A_86 = arith.constant 0 : i32
      %dma_start3A_87 = tpu.memref_slice %arg7[%dma_start3A_85, %dma_start3A_86] : memref<800x32xf32, #tpu.memory_space<vmem>> -> memref<80x32xf32, #tpu.memory_space<vmem>>
      %dma_start3A_88 = arith.constant 720 : i32
      %dma_start3A_89 = tpu.memref_slice %arg6[%dma_start3A_88] : memref<800xi32, #tpu.memory_space<vmem>> -> memref<80xi32, #tpu.memory_space<vmem>>
      %dma_start3A_90 = arith.constant 0 : i32
      %dma_start3A_91 = arith.constant 0 : i32
      %dma_start3A_92 = tpu.memref_slice %arg3[%dma_start3A_90, %dma_start3A_91] : memref<1000000x32xf32, #tpu.memory_space<hbm>> -> memref<1000000x32xf32, #tpu.memory_space<hbm>>
      tpu.enqueue_indirect_dma source(%dma_start3A_92 : memref<1000000x32xf32, #tpu.memory_space<hbm>>) target(%dma_start3A_87 : memref<80x32xf32, #tpu.memory_space<vmem>>) offsets(%dma_start3A_89 : memref<80xi32, #tpu.memory_space<vmem>>) semaphore(%arg9 : memref<!tpu.dma_semaphore, #tpu.memory_space<semaphore_mem>>)
      %dma_wait3A = arith.constant 0 : i32
      %dma_wait3A_93 = arith.constant 0 : i32
      %dma_wait3A_94 = tpu.memref_slice %arg7[%dma_wait3A, %dma_wait3A_93] : memref<800x32xf32, #tpu.memory_space<vmem>> -> memref<80x32xf32, #tpu.memory_space<vmem>>
      %dma_wait3A_95 = arith.constant 0 : i32
      %dma_wait3A_96 = tpu.memref_slice %arg6[%dma_wait3A_95] : memref<800xi32, #tpu.memory_space<vmem>> -> memref<80xi32, #tpu.memory_space<vmem>>
      %dma_wait3A_97 = arith.constant 0 : i32
      %dma_wait3A_98 = arith.constant 0 : i32
      %dma_wait3A_99 = tpu.memref_slice %arg3[%dma_wait3A_97, %dma_wait3A_98] : memref<1000000x32xf32, #tpu.memory_space<hbm>> -> memref<1000000x32xf32, #tpu.memory_space<hbm>>
      tpu.wait_indirect_dma semaphore(%arg9 : memref<!tpu.dma_semaphore, #tpu.memory_space<semaphore_mem>>) src(%dma_wait3A_99 : memref<1000000x32xf32, #tpu.memory_space<hbm>>) dst(%dma_wait3A_94 : memref<80x32xf32, #tpu.memory_space<vmem>>)
      %dma_wait3A_100 = arith.constant 80 : i32
      %dma_wait3A_101 = arith.constant 0 : i32
      %dma_wait3A_102 = tpu.memref_slice %arg7[%dma_wait3A_100, %dma_wait3A_101] : memref<800x32xf32, #tpu.memory_space<vmem>> -> memref<80x32xf32, #tpu.memory_space<vmem>>
      %dma_wait3A_103 = arith.constant 80 : i32
      %dma_wait3A_104 = tpu.memref_slice %arg6[%dma_wait3A_103] : memref<800xi32, #tpu.memory_space<vmem>> -> memref<80xi32, #tpu.memory_space<vmem>>
      %dma_wait3A_105 = arith.constant 0 : i32
      %dma_wait3A_106 = arith.constant 0 : i32
      %dma_wait3A_107 = tpu.memref_slice %arg3[%dma_wait3A_105, %dma_wait3A_106] : memref<1000000x32xf32, #tpu.memory_space<hbm>> -> memref<1000000x32xf32, #tpu.memory_space<hbm>>
      tpu.wait_indirect_dma semaphore(%arg9 : memref<!tpu.dma_semaphore, #tpu.memory_space<semaphore_mem>>) src(%dma_wait3A_107 : memref<1000000x32xf32, #tpu.memory_space<hbm>>) dst(%dma_wait3A_102 : memref<80x32xf32, #tpu.memory_space<vmem>>)
      %dma_wait3A_108 = arith.constant 160 : i32
      %dma_wait3A_109 = arith.constant 0 : i32
      %dma_wait3A_110 = tpu.memref_slice %arg7[%dma_wait3A_108, %dma_wait3A_109] : memref<800x32xf32, #tpu.memory_space<vmem>> -> memref<80x32xf32, #tpu.memory_space<vmem>>
      %dma_wait3A_111 = arith.constant 160 : i32
      %dma_wait3A_112 = tpu.memref_slice %arg6[%dma_wait3A_111] : memref<800xi32, #tpu.memory_space<vmem>> -> memref<80xi32, #tpu.memory_space<vmem>>
      %dma_wait3A_113 = arith.constant 0 : i32
      %dma_wait3A_114 = arith.constant 0 : i32
      %dma_wait3A_115 = tpu.memref_slice %arg3[%dma_wait3A_113, %dma_wait3A_114] : memref<1000000x32xf32, #tpu.memory_space<hbm>> -> memref<1000000x32xf32, #tpu.memory_space<hbm>>
      tpu.wait_indirect_dma semaphore(%arg9 : memref<!tpu.dma_semaphore, #tpu.memory_space<semaphore_mem>>) src(%dma_wait3A_115 : memref<1000000x32xf32, #tpu.memory_space<hbm>>) dst(%dma_wait3A_110 : memref<80x32xf32, #tpu.memory_space<vmem>>)
      %dma_wait3A_116 = arith.constant 240 : i32
      %dma_wait3A_117 = arith.constant 0 : i32
      %dma_wait3A_118 = tpu.memref_slice %arg7[%dma_wait3A_116, %dma_wait3A_117] : memref<800x32xf32, #tpu.memory_space<vmem>> -> memref<80x32xf32, #tpu.memory_space<vmem>>
      %dma_wait3A_119 = arith.constant 240 : i32
      %dma_wait3A_120 = tpu.memref_slice %arg6[%dma_wait3A_119] : memref<800xi32, #tpu.memory_space<vmem>> -> memref<80xi32, #tpu.memory_space<vmem>>
      %dma_wait3A_121 = arith.constant 0 : i32
      %dma_wait3A_122 = arith.constant 0 : i32
      %dma_wait3A_123 = tpu.memref_slice %arg3[%dma_wait3A_121, %dma_wait3A_122] : memref<1000000x32xf32, #tpu.memory_space<hbm>> -> memref<1000000x32xf32, #tpu.memory_space<hbm>>
      tpu.wait_indirect_dma semaphore(%arg9 : memref<!tpu.dma_semaphore, #tpu.memory_space<semaphore_mem>>) src(%dma_wait3A_123 : memref<1000000x32xf32, #tpu.memory_space<hbm>>) dst(%dma_wait3A_118 : memref<80x32xf32, #tpu.memory_space<vmem>>)
      %dma_wait3A_124 = arith.constant 320 : i32
      %dma_wait3A_125 = arith.constant 0 : i32
      %dma_wait3A_126 = tpu.memref_slice %arg7[%dma_wait3A_124, %dma_wait3A_125] : memref<800x32xf32, #tpu.memory_space<vmem>> -> memref<80x32xf32, #tpu.memory_space<vmem>>
      %dma_wait3A_127 = arith.constant 320 : i32
      %dma_wait3A_128 = tpu.memref_slice %arg6[%dma_wait3A_127] : memref<800xi32, #tpu.memory_space<vmem>> -> memref<80xi32, #tpu.memory_space<vmem>>
      %dma_wait3A_129 = arith.constant 0 : i32
      %dma_wait3A_130 = arith.constant 0 : i32
      %dma_wait3A_131 = tpu.memref_slice %arg3[%dma_wait3A_129, %dma_wait3A_130] : memref<1000000x32xf32, #tpu.memory_space<hbm>> -> memref<1000000x32xf32, #tpu.memory_space<hbm>>
      tpu.wait_indirect_dma semaphore(%arg9 : memref<!tpu.dma_semaphore, #tpu.memory_space<semaphore_mem>>) src(%dma_wait3A_131 : memref<1000000x32xf32, #tpu.memory_space<hbm>>) dst(%dma_wait3A_126 : memref<80x32xf32, #tpu.memory_space<vmem>>)
      %dma_wait3A_132 = arith.constant 400 : i32
      %dma_wait3A_133 = arith.constant 0 : i32
      %dma_wait3A_134 = tpu.memref_slice %arg7[%dma_wait3A_132, %dma_wait3A_133] : memref<800x32xf32, #tpu.memory_space<vmem>> -> memref<80x32xf32, #tpu.memory_space<vmem>>
      %dma_wait3A_135 = arith.constant 400 : i32
      %dma_wait3A_136 = tpu.memref_slice %arg6[%dma_wait3A_135] : memref<800xi32, #tpu.memory_space<vmem>> -> memref<80xi32, #tpu.memory_space<vmem>>
      %dma_wait3A_137 = arith.constant 0 : i32
      %dma_wait3A_138 = arith.constant 0 : i32
      %dma_wait3A_139 = tpu.memref_slice %arg3[%dma_wait3A_137, %dma_wait3A_138] : memref<1000000x32xf32, #tpu.memory_space<hbm>> -> memref<1000000x32xf32, #tpu.memory_space<hbm>>
      tpu.wait_indirect_dma semaphore(%arg9 : memref<!tpu.dma_semaphore, #tpu.memory_space<semaphore_mem>>) src(%dma_wait3A_139 : memref<1000000x32xf32, #tpu.memory_space<hbm>>) dst(%dma_wait3A_134 : memref<80x32xf32, #tpu.memory_space<vmem>>)
      %dma_wait3A_140 = arith.constant 480 : i32
      %dma_wait3A_141 = arith.constant 0 : i32
      %dma_wait3A_142 = tpu.memref_slice %arg7[%dma_wait3A_140, %dma_wait3A_141] : memref<800x32xf32, #tpu.memory_space<vmem>> -> memref<80x32xf32, #tpu.memory_space<vmem>>
      %dma_wait3A_143 = arith.constant 480 : i32
      %dma_wait3A_144 = tpu.memref_slice %arg6[%dma_wait3A_143] : memref<800xi32, #tpu.memory_space<vmem>> -> memref<80xi32, #tpu.memory_space<vmem>>
      %dma_wait3A_145 = arith.constant 0 : i32
      %dma_wait3A_146 = arith.constant 0 : i32
      %dma_wait3A_147 = tpu.memref_slice %arg3[%dma_wait3A_145, %dma_wait3A_146] : memref<1000000x32xf32, #tpu.memory_space<hbm>> -> memref<1000000x32xf32, #tpu.memory_space<hbm>>
      tpu.wait_indirect_dma semaphore(%arg9 : memref<!tpu.dma_semaphore, #tpu.memory_space<semaphore_mem>>) src(%dma_wait3A_147 : memref<1000000x32xf32, #tpu.memory_space<hbm>>) dst(%dma_wait3A_142 : memref<80x32xf32, #tpu.memory_space<vmem>>)
      %dma_wait3A_148 = arith.constant 560 : i32
      %dma_wait3A_149 = arith.constant 0 : i32
      %dma_wait3A_150 = tpu.memref_slice %arg7[%dma_wait3A_148, %dma_wait3A_149] : memref<800x32xf32, #tpu.memory_space<vmem>> -> memref<80x32xf32, #tpu.memory_space<vmem>>
      %dma_wait3A_151 = arith.constant 560 : i32
      %dma_wait3A_152 = tpu.memref_slice %arg6[%dma_wait3A_151] : memref<800xi32, #tpu.memory_space<vmem>> -> memref<80xi32, #tpu.memory_space<vmem>>
      %dma_wait3A_153 = arith.constant 0 : i32
      %dma_wait3A_154 = arith.constant 0 : i32
      %dma_wait3A_155 = tpu.memref_slice %arg3[%dma_wait3A_153, %dma_wait3A_154] : memref<1000000x32xf32, #tpu.memory_space<hbm>> -> memref<1000000x32xf32, #tpu.memory_space<hbm>>
      tpu.wait_indirect_dma semaphore(%arg9 : memref<!tpu.dma_semaphore, #tpu.memory_space<semaphore_mem>>) src(%dma_wait3A_155 : memref<1000000x32xf32, #tpu.memory_space<hbm>>) dst(%dma_wait3A_150 : memref<80x32xf32, #tpu.memory_space<vmem>>)
      %dma_wait3A_156 = arith.constant 640 : i32
      %dma_wait3A_157 = arith.constant 0 : i32
      %dma_wait3A_158 = tpu.memref_slice %arg7[%dma_wait3A_156, %dma_wait3A_157] : memref<800x32xf32, #tpu.memory_space<vmem>> -> memref<80x32xf32, #tpu.memory_space<vmem>>
      %dma_wait3A_159 = arith.constant 640 : i32
      %dma_wait3A_160 = tpu.memref_slice %arg6[%dma_wait3A_159] : memref<800xi32, #tpu.memory_space<vmem>> -> memref<80xi32, #tpu.memory_space<vmem>>
      %dma_wait3A_161 = arith.constant 0 : i32
      %dma_wait3A_162 = arith.constant 0 : i32
      %dma_wait3A_163 = tpu.memref_slice %arg3[%dma_wait3A_161, %dma_wait3A_162] : memref<1000000x32xf32, #tpu.memory_space<hbm>> -> memref<1000000x32xf32, #tpu.memory_space<hbm>>
      tpu.wait_indirect_dma semaphore(%arg9 : memref<!tpu.dma_semaphore, #tpu.memory_space<semaphore_mem>>) src(%dma_wait3A_163 : memref<1000000x32xf32, #tpu.memory_space<hbm>>) dst(%dma_wait3A_158 : memref<80x32xf32, #tpu.memory_space<vmem>>)
      %dma_wait3A_164 = arith.constant 720 : i32
      %dma_wait3A_165 = arith.constant 0 : i32
      %dma_wait3A_166 = tpu.memref_slice %arg7[%dma_wait3A_164, %dma_wait3A_165] : memref<800x32xf32, #tpu.memory_space<vmem>> -> memref<80x32xf32, #tpu.memory_space<vmem>>
      %dma_wait3A_167 = arith.constant 720 : i32
      %dma_wait3A_168 = tpu.memref_slice %arg6[%dma_wait3A_167] : memref<800xi32, #tpu.memory_space<vmem>> -> memref<80xi32, #tpu.memory_space<vmem>>
      %dma_wait3A_169 = arith.constant 0 : i32
      %dma_wait3A_170 = arith.constant 0 : i32
      %dma_wait3A_171 = tpu.memref_slice %arg3[%dma_wait3A_169, %dma_wait3A_170] : memref<1000000x32xf32, #tpu.memory_space<hbm>> -> memref<1000000x32xf32, #tpu.memory_space<hbm>>
      tpu.wait_indirect_dma semaphore(%arg9 : memref<!tpu.dma_semaphore, #tpu.memory_space<semaphore_mem>>) src(%dma_wait3A_171 : memref<1000000x32xf32, #tpu.memory_space<hbm>>) dst(%dma_wait3A_166 : memref<80x32xf32, #tpu.memory_space<vmem>>)
      %scan3A_172 = arith.constant 0 : i32
      %scan3A_173 = arith.constant 0 : i32
      %scan3A_174 = arith.constant 200 : i32
      %scan3A_175 = arith.addi %scan3A_173, %scan3A_174 : i32
      %scan3A_176 = arith.constant 1 : i32
      scf.for %scan3A_178 = %scan3A_173 to %scan3A_175 step %scan3A_176  : i32 {
        %mul3A_179 = arith.constant 32 : i32
        %mul3A_180 = arith.muli %scan3A_178, %mul3A_179 : i32
        %get3A = arith.index_cast %mul3A_180 : i32 to index
        %get3A_181 = tpu.vector_load %arg8[%get3A] {strides = array<i32>} : memref<6400xf32, #tpu.memory_space<vmem>>, vector<16xf32>,
        %get3A_182 = vector.shape_cast %get3A_181 : vector<16xf32> to vector<16xf32>
        %mul3A_183 = arith.constant 32 : i32
        %mul3A_184 = arith.muli %scan3A_178, %mul3A_183 : i32
        %add3A_185 = arith.constant 16 : i32
        %add3A_186 = arith.addi %mul3A_184, %add3A_185 : i32
        %get3A_187 = arith.index_cast %add3A_186 : i32 to index
        %get3A_188 = tpu.vector_load %arg8[%get3A_187] {strides = array<i32>} : memref<6400xf32, #tpu.memory_space<vmem>>, vector<16xf32>,
        %get3A_189 = vector.shape_cast %get3A_188 : vector<16xf32> to vector<16xf32>
        %add3A_190 = arith.constant 0 : i32
        %add3A_191 = arith.addi %add3A_190, %scan3A_178 : i32
        %get3A_192 = arith.index_cast %add3A_191 : i32 to index
        %get3A_193 = arith.constant 0 : index
        %get3A_194 = tpu.vector_load %arg7[%get3A_192, %get3A_193] {strides = array<i32>} : memref<800x32xf32, #tpu.memory_space<vmem>>, vector<1x16xf32>,
        %get3A_195 = vector.shape_cast %get3A_194 : vector<1x16xf32> to vector<16xf32>
        %add3A_196 = arith.addf %get3A_195, %get3A_182 : vector<16xf32>
        %swap3A = arith.index_cast %add3A_191 : i32 to index
        %swap3A_197 = arith.constant 0 : index
        %swap3A_198 = tpu.vector_load %arg7[%swap3A, %swap3A_197] {strides = array<i32>} : memref<800x32xf32, #tpu.memory_space<vmem>>, vector<1x16xf32>,
        %swap3A_199 = vector.shape_cast %swap3A_198 : vector<1x16xf32> to vector<16xf32>
        %swap3A_200 = vector.shape_cast %add3A_196 : vector<16xf32> to vector<1x16xf32>
        tpu.vector_store %arg7[%swap3A, %swap3A_197], %swap3A_200 {strides = array<i32>} : memref<800x32xf32, #tpu.memory_space<vmem>>, vector<1x16xf32>,
        %get3A_201 = arith.index_cast %add3A_191 : i32 to index
        %get3A_202 = arith.constant 16 : index
        %get3A_203 = tpu.vector_load %arg7[%get3A_201, %get3A_202] {strides = array<i32>} : memref<800x32xf32, #tpu.memory_space<vmem>>, vector<1x16xf32>,
        %get3A_204 = vector.shape_cast %get3A_203 : vector<1x16xf32> to vector<16xf32>
        %add3A_205 = arith.addf %get3A_204, %get3A_189 : vector<16xf32>
        %swap3A_206 = arith.index_cast %add3A_191 : i32 to index
        %swap3A_207 = arith.constant 16 : index
        %swap3A_208 = tpu.vector_load %arg7[%swap3A_206, %swap3A_207] {strides = array<i32>} : memref<800x32xf32, #tpu.memory_space<vmem>>, vector<1x16xf32>,
        %swap3A_209 = vector.shape_cast %swap3A_208 : vector<1x16xf32> to vector<16xf32>
        %swap3A_210 = vector.shape_cast %add3A_205 : vector<16xf32> to vector<1x16xf32>
        tpu.vector_store %arg7[%swap3A_206, %swap3A_207], %swap3A_210 {strides = array<i32>} : memref<800x32xf32, #tpu.memory_space<vmem>>, vector<1x16xf32>,
        %add3A_211 = arith.constant 200 : i32
        %add3A_212 = arith.addi %add3A_211, %scan3A_178 : i32
        %get3A_213 = arith.index_cast %add3A_212 : i32 to index
        %get3A_214 = arith.constant 0 : index
        %get3A_215 = tpu.vector_load %arg7[%get3A_213, %get3A_214] {strides = array<i32>} : memref<800x32xf32, #tpu.memory_space<vmem>>, vector<1x16xf32>,
        %get3A_216 = vector.shape_cast %get3A_215 : vector<1x16xf32> to vector<16xf32>
        %add3A_217 = arith.addf %get3A_216, %get3A_182 : vector<16xf32>
        %swap3A_218 = arith.index_cast %add3A_212 : i32 to index
        %swap3A_219 = arith.constant 0 : index
        %swap3A_220 = tpu.vector_load %arg7[%swap3A_218, %swap3A_219] {strides = array<i32>} : memref<800x32xf32, #tpu.memory_space<vmem>>, vector<1x16xf32>,
        %swap3A_221 = vector.shape_cast %swap3A_220 : vector<1x16xf32> to vector<16xf32>
        %swap3A_222 = vector.shape_cast %add3A_217 : vector<16xf32> to vector<1x16xf32>
        tpu.vector_store %arg7[%swap3A_218, %swap3A_219], %swap3A_222 {strides = array<i32>} : memref<800x32xf32, #tpu.memory_space<vmem>>, vector<1x16xf32>,
        %get3A_223 = arith.index_cast %add3A_212 : i32 to index
        %get3A_224 = arith.constant 16 : index
        %get3A_225 = tpu.vector_load %arg7[%get3A_223, %get3A_224] {strides = array<i32>} : memref<800x32xf32, #tpu.memory_space<vmem>>, vector<1x16xf32>,
        %get3A_226 = vector.shape_cast %get3A_225 : vector<1x16xf32> to vector<16xf32>
        %add3A_227 = arith.addf %get3A_226, %get3A_189 : vector<16xf32>
        %swap3A_228 = arith.index_cast %add3A_212 : i32 to index
        %swap3A_229 = arith.constant 16 : index
        %swap3A_230 = tpu.vector_load %arg7[%swap3A_228, %swap3A_229] {strides = array<i32>} : memref<800x32xf32, #tpu.memory_space<vmem>>, vector<1x16xf32>,
        %swap3A_231 = vector.shape_cast %swap3A_230 : vector<1x16xf32> to vector<16xf32>
        %swap3A_232 = vector.shape_cast %add3A_227 : vector<16xf32> to vector<1x16xf32>
        tpu.vector_store %arg7[%swap3A_228, %swap3A_229], %swap3A_232 {strides = array<i32>} : memref<800x32xf32, #tpu.memory_space<vmem>>, vector<1x16xf32>,
        %add3A_233 = arith.constant 400 : i32
        %add3A_234 = arith.addi %add3A_233, %scan3A_178 : i32
        %get3A_235 = arith.index_cast %add3A_234 : i32 to index
        %get3A_236 = arith.constant 0 : index
        %get3A_237 = tpu.vector_load %arg7[%get3A_235, %get3A_236] {strides = array<i32>} : memref<800x32xf32, #tpu.memory_space<vmem>>, vector<1x16xf32>,
        %get3A_238 = vector.shape_cast %get3A_237 : vector<1x16xf32> to vector<16xf32>
        %add3A_239 = arith.addf %get3A_238, %get3A_182 : vector<16xf32>
        %swap3A_240 = arith.index_cast %add3A_234 : i32 to index
        %swap3A_241 = arith.constant 0 : index
        %swap3A_242 = tpu.vector_load %arg7[%swap3A_240, %swap3A_241] {strides = array<i32>} : memref<800x32xf32, #tpu.memory_space<vmem>>, vector<1x16xf32>,
        %swap3A_243 = vector.shape_cast %swap3A_242 : vector<1x16xf32> to vector<16xf32>
        %swap3A_244 = vector.shape_cast %add3A_239 : vector<16xf32> to vector<1x16xf32>
        tpu.vector_store %arg7[%swap3A_240, %swap3A_241], %swap3A_244 {strides = array<i32>} : memref<800x32xf32, #tpu.memory_space<vmem>>, vector<1x16xf32>,
        %get3A_245 = arith.index_cast %add3A_234 : i32 to index
        %get3A_246 = arith.constant 16 : index
        %get3A_247 = tpu.vector_load %arg7[%get3A_245, %get3A_246] {strides = array<i32>} : memref<800x32xf32, #tpu.memory_space<vmem>>, vector<1x16xf32>,
        %get3A_248 = vector.shape_cast %get3A_247 : vector<1x16xf32> to vector<16xf32>
        %add3A_249 = arith.addf %get3A_248, %get3A_189 : vector<16xf32>
        %swap3A_250 = arith.index_cast %add3A_234 : i32 to index
        %swap3A_251 = arith.constant 16 : index
        %swap3A_252 = tpu.vector_load %arg7[%swap3A_250, %swap3A_251] {strides = array<i32>} : memref<800x32xf32, #tpu.memory_space<vmem>>, vector<1x16xf32>,
        %swap3A_253 = vector.shape_cast %swap3A_252 : vector<1x16xf32> to vector<16xf32>
        %swap3A_254 = vector.shape_cast %add3A_249 : vector<16xf32> to vector<1x16xf32>
        tpu.vector_store %arg7[%swap3A_250, %swap3A_251], %swap3A_254 {strides = array<i32>} : memref<800x32xf32, #tpu.memory_space<vmem>>, vector<1x16xf32>,
        %add3A_255 = arith.constant 600 : i32
        %add3A_256 = arith.addi %add3A_255, %scan3A_178 : i32
        %get3A_257 = arith.index_cast %add3A_256 : i32 to index
        %get3A_258 = arith.constant 0 : index
        %get3A_259 = tpu.vector_load %arg7[%get3A_257, %get3A_258] {strides = array<i32>} : memref<800x32xf32, #tpu.memory_space<vmem>>, vector<1x16xf32>,
        %get3A_260 = vector.shape_cast %get3A_259 : vector<1x16xf32> to vector<16xf32>
        %add3A_261 = arith.addf %get3A_260, %get3A_182 : vector<16xf32>
        %swap3A_262 = arith.index_cast %add3A_256 : i32 to index
        %swap3A_263 = arith.constant 0 : index
        %swap3A_264 = tpu.vector_load %arg7[%swap3A_262, %swap3A_263] {strides = array<i32>} : memref<800x32xf32, #tpu.memory_space<vmem>>, vector<1x16xf32>,
        %swap3A_265 = vector.shape_cast %swap3A_264 : vector<1x16xf32> to vector<16xf32>
        %swap3A_266 = vector.shape_cast %add3A_261 : vector<16xf32> to vector<1x16xf32>
        tpu.vector_store %arg7[%swap3A_262, %swap3A_263], %swap3A_266 {strides = array<i32>} : memref<800x32xf32, #tpu.memory_space<vmem>>, vector<1x16xf32>,
        %get3A_267 = arith.index_cast %add3A_256 : i32 to index
        %get3A_268 = arith.constant 16 : index
        %get3A_269 = tpu.vector_load %arg7[%get3A_267, %get3A_268] {strides = array<i32>} : memref<800x32xf32, #tpu.memory_space<vmem>>, vector<1x16xf32>,
        %get3A_270 = vector.shape_cast %get3A_269 : vector<1x16xf32> to vector<16xf32>
        %add3A_271 = arith.addf %get3A_270, %get3A_189 : vector<16xf32>
        %swap3A_272 = arith.index_cast %add3A_256 : i32 to index
        %swap3A_273 = arith.constant 16 : index
        %swap3A_274 = tpu.vector_load %arg7[%swap3A_272, %swap3A_273] {strides = array<i32>} : memref<800x32xf32, #tpu.memory_space<vmem>>, vector<1x16xf32>,
        %swap3A_275 = vector.shape_cast %swap3A_274 : vector<1x16xf32> to vector<16xf32>
        %swap3A_276 = vector.shape_cast %add3A_271 : vector<16xf32> to vector<1x16xf32>
        tpu.vector_store %arg7[%swap3A_272, %swap3A_273], %swap3A_276 {strides = array<i32>} : memref<800x32xf32, #tpu.memory_space<vmem>>, vector<1x16xf32>,
      }
      %scan3A_177 = arith.constant 200 : i32
      "tpu.region"() ({
        %run_scoped3A = tpu.sem_alloc : memref<!tpu.dma_semaphore, #tpu.memory_space<semaphore_mem>>
        %dma_start3A_178 = arith.constant 0 : i32
        %dma_start3A_179 = tpu.memref_slice %arg5[%add3A_13, %dma_start3A_178] : memref<3276800x32xf32, #tpu.memory_space<hbm>> -> memref<800x32xf32, #tpu.memory_space<hbm>>
        %dma_start3A_180 = arith.constant 0 : i32
        %dma_start3A_181 = tpu.memref_slice %arg5[%add3A_13, %dma_start3A_180] : memref<3276800x32xf32, #tpu.memory_space<hbm>> -> memref<800x32xf32, #tpu.memory_space<hbm>>
        tpu.enqueue_dma source(%arg7 : memref<800x32xf32, #tpu.memory_space<vmem>>) target(%dma_start3A_181 : memref<800x32xf32, #tpu.memory_space<hbm>>) target_semaphore(%run_scoped3A : memref<!tpu.dma_semaphore, #tpu.memory_space<semaphore_mem>>)
        %dma_wait3A_182 = arith.constant 0 : i32
        %dma_wait3A_183 = tpu.memref_slice %arg5[%add3A_13, %dma_wait3A_182] : memref<3276800x32xf32, #tpu.memory_space<hbm>> -> memref<800x32xf32, #tpu.memory_space<hbm>>
        %dma_wait3A_184 = arith.constant 0 : i32
        %dma_wait3A_185 = tpu.memref_slice %arg5[%add3A_13, %dma_wait3A_184] : memref<3276800x32xf32, #tpu.memory_space<hbm>> -> memref<800x32xf32, #tpu.memory_space<hbm>>
        tpu.wait_dma2 semaphore(%run_scoped3A : memref<!tpu.dma_semaphore, #tpu.memory_space<semaphore_mem>>) src(%arg7 : memref<800x32xf32, #tpu.memory_space<vmem>>) dst(%dma_wait3A_185 : memref<800x32xf32, #tpu.memory_space<hbm>>)
        tpu.yield
      }) : () -> ()
    }
    %scan3A_9 = arith.constant 128 : i32
    return
  }
}

</mosaic_0001>

<sc_bundles>
// kernel: kernel.3.cloned.1.call-start
scs
__scs_entry_jumppad:
0x0: {  	(pc) =	sbr.rel $0x88, $3  }
0x1: {  	(tag) =	ssettag $0x0;
	lr =	simm.s32 $0x1  }
0x2: {  	[smem:$0x3F9E] =	sst lr;
	_ =	strace $0xD0000000  }
0x3: {  	_ = 	snop  }
0x4: {  	_ = 	snop  }
0x5: {  	_ = 	snop  }
0x6: {  	_ = 	snop  }
0x7: {  	_ = 	snop  }
__scs_overlays_trampoline_lowered:
0x8: {  	[smem:$0x3FAD] =	sst s0  }
0x9: {  	[smem:$0x3FAE] =	sst s1  }
0xa: {  	[smem:$0x3FAF] =	sst s2  }
0xb: {  	[smem:$0x3FB0] =	sst s3  }
0xc: {  	[smem:$0x3FB1] =	sst s4  }
0xd: {  	[smem:$0x3FB2] =	sst s5  }
0xe: {  	[smem:$0x3FB3] =	sst s6  }
0xf: {  	[smem:$0x3FB4] =	sst s7  }
0x10: {  	[smem:$0x3FB5] =	sst s8  }
0x11: {  	[smem:$0x3FB6] =	sst s9;
	s0 =	simm.s32 @!p0 $0x0  }
0x12: {  	s1 =	sld [smem:$0x3F9C];
	s0 =	simm.s32 @p0 $0x1  }
0x13: {  	[smem:$0x3FB7] =	sst s0;
	s0 =	simm.s32 @!p1 $0x0  }
0x14: {  	s2 =	sld [smem:$0x3F9B];
	s0 =	simm.s32 @p1 $0x1  }
0x15: {  	[smem:$0x3FB8] =	sst s0;
	s0 =	simm.s32 @!p2 $0x0  }
0x16: {  	s3 =	sld [smem:$0x3FDB];
	s0 =	simm.s32 @p2 $0x1  }
0x17: {  	s4 =	simm.s32 $0x1BF5;
	[smem:$0x3FBA] =	sst s0  }
0x18: {  	s0 =	sld [smem:$0x3F9D];
	_ =	swait.ge [sflag:s4], $0x0  }
0x19: {  	s7 =	sld [smem:$0x3F9E]  }
0x1a: {  	s8 =	sadd.s32 $0xFFFFE003, lr  }
0x1b: {  	s9 =	sadd.s32 $0xFFFFFEF7, lr;
	s5 =	simm.s32 $0xFFFFFFFF;
	p2 =	slt.u32 s8, $0xFFFFF086  }
0x1c: {  	p1 =	slt.u32 s9, $0xF7A;
	s5 =	simm.s32 @!p2 $0x0  }
0x1d: {  	s5 =	simm.s32 @p1 $0x1;
	p0 =	seq.s32 s7, s2  }
0x1e: {  	s7 =	smul.u32 @!p0 $0xF7A, s2;
	p2 =	seq.s32 @!p0 s5, $0x0  }
0x1f: {  	s9 =	smul.u32 $0xF7A, s1;
	s8 =	simm.s32 @!p0 $0x1BF5;
	p2 =	por !p2, p0  }
0x20: {  	[sflag:s8] =	ssyncset.s32 @!p0 $0xFFFFF086;
	s6 =	sadd.s32 @!p0 s3, s7;
	s7 =	simm.s32 @!p0 $0x108  }
0x21: {  	s3 =	sadd.s32 s3, s9;
	s6 =	sadd.s32 @!p0 $0x88, s6;
	s7 =	simm.s32 @p2 $0x1082  }
0x22: {  	[simem:s7], [sflag:s8] =	dma.local @!p0 [hbm:s6], $0xF7A  }
0x23: {  	s9 =	sor.u32 $0xD0000000, s2;
	s6 =	simm.s32 $0x108;
	_ =	swait.ge @!p0 [sflag:s8], $0x0  }
0x24: {  	s3 =	sadd.s32 $0x88, s3;
	s6 =	simm.s32 @!p1 $0x1082;
	[sflag:s4] =	ssyncset.s32 $0xFFFFF086  }
0x25: {  	[simem:s6], [sflag:s4] =	dma.local [hbm:s3], $0xF7A  }
0x26: {  	[smem:$0x3F9E] =	sst s1;
	(tag) =	ssettag s2;
	_ =	strace s9  }
0x27: {  	s1 =	sld [smem:$0x3FAE]  }
0x28: {  	s2 =	sld [smem:$0x3FAF]  }
0x29: {  	s4 =	sld [smem:$0x3FB1]  }
0x2a: {  	p0 =	seq.s32 s5, $0x0;
	s5 =	sld [smem:$0x3FB2]  }
0x2b: {  	s6 =	sld [smem:$0x3FB3]  }
0x2c: {  	s7 =	sld [smem:$0x3FB4]  }
0x2d: {  	s3 =	simm.s32 $0x108;
	s8 =	sld [smem:$0x3FB5]  }
0x2e: {  	s3 =	simm.s32 @!p0 $0x1082;
	s9 =	sld [smem:$0x3FB6]  }
0x2f: {  	lr =	sadd.s32 s0, s3;
	s0 =	sld [smem:$0x3FAD]  }
0x30: {  	s3 =	sld [smem:$0x3FB0]  }
0x31: {  	[smem:$0x3FB9] =	sst s10  }
0x32: {  	s10 =	sld [smem:$0x3FB7];
	_ =	sdelay $0x3  }
0x33: {  	p0 =	seq.s32 s10, $0x1;
	s10 =	sld [smem:$0x3FB9];
	_ =	sdelay $0x3  }
0x34: {  	[smem:$0x3FB9] =	sst s10  }
0x35: {  	s10 =	sld [smem:$0x3FB8];
	_ =	sdelay $0x3  }
0x36: {  	p1 =	seq.s32 s10, $0x1;
	s10 =	sld [smem:$0x3FB9];
	_ =	sdelay $0x3  }
0x37: {  	[smem:$0x3FB9] =	sst s10  }
0x38: {  	s10 =	sld [smem:$0x3FBA]  }
0x39: {  	_ = 	snop;
	(pc) =	sbr.ind lr, $3  }
0x3a: {  	_ = 	snop  }
0x3b: {  	_ = 	snop  }
0x3c: {  	p2 =	seq.s32 s10, $0x1;
	s10 =	sld [smem:$0x3FB9]  }
0x3d: {  	_ =	shalt  }
0x3e: {  	_ =	shalt  }
0x3f: {  	_ =	shalt  }
0x40: {  	_ =	shalt  }
0x41: {  	_ =	shalt  }
0x42: {  	_ =	shalt  }
0x43: {  	_ =	shalt  }
0x44: {  	_ =	shalt  }
0x45: {  	_ =	shalt  }
0x46: {  	_ =	shalt  }
0x47: {  	_ =	shalt  }
0x48: {  	_ =	shalt  }
0x49: {  	_ =	shalt  }
0x4a: {  	_ =	shalt  }
0x4b: {  	_ =	shalt  }
0x4c: {  	_ =	shalt  }
0x4d: {  	_ =	shalt  }
0x4e: {  	_ =	shalt  }
0x4f: {  	_ =	shalt  }
0x50: {  	_ =	shalt  }
0x51: {  	_ =	shalt  }
0x52: {  	_ =	shalt  }
0x53: {  	_ =	shalt  }
0x54: {  	_ =	shalt  }
0x55: {  	_ =	shalt  }
0x56: {  	_ =	shalt  }
0x57: {  	_ =	shalt  }
0x58: {  	_ =	shalt  }
0x59: {  	_ =	shalt  }
0x5a: {  	_ =	shalt  }
0x5b: {  	_ =	shalt  }
0x5c: {  	_ =	shalt  }
0x5d: {  	_ =	shalt  }
0x5e: {  	_ =	shalt  }
0x5f: {  	_ =	shalt  }
0x60: {  	_ =	shalt  }
0x61: {  	_ =	shalt  }
0x62: {  	_ =	shalt  }
0x63: {  	_ =	shalt  }
0x64: {  	_ =	shalt  }
0x65: {  	_ =	shalt  }
0x66: {  	_ =	shalt  }
0x67: {  	_ =	shalt  }
0x68: {  	_ =	shalt  }
0x69: {  	_ =	shalt  }
0x6a: {  	_ =	shalt  }
0x6b: {  	_ =	shalt  }
0x6c: {  	_ =	shalt  }
0x6d: {  	_ =	shalt  }
0x6e: {  	_ =	shalt  }
0x6f: {  	_ =	shalt  }
0x70: {  	_ =	shalt  }
0x71: {  	_ =	shalt  }
0x72: {  	_ =	shalt  }
0x73: {  	_ =	shalt  }
0x74: {  	_ =	shalt  }
0x75: {  	_ =	shalt  }
0x76: {  	_ =	shalt  }
0x77: {  	_ =	shalt  }
0x78: {  	_ =	shalt  }
0x79: {  	_ =	shalt  }
0x7a: {  	_ =	shalt  }
0x7b: {  	_ =	shalt  }
0x7c: {  	_ =	shalt  }
0x7d: {  	_ =	shalt  }
0x7e: {  	_ =	shalt  }
0x7f: {  	_ =	shalt  }
0x80: {  	_ =	shalt  }
0x81: {  	_ =	shalt  }
0x82: {  	_ =	shalt  }
0x83: {  	_ =	shalt  }
0x84: {  	_ =	shalt  }
0x85: {  	_ =	shalt  }
0x86: {  	_ =	shalt  }
0x87: {  	_ =	shalt  }
.Lfunc_end0:
.L_simem_size_0:
called_computation.1_lowered:
.L_overlay_start_0:
0x88: {  	s2 =	sld [smem:$0x3FD9]  }
0x89: {  	s3 =	sld [smem:$0x3FFE];
	_ =	sdelay $0x1  }
0x8a: {  	s1 =	srdreg.scid  }
0x8b: {  	s0 =	sand.u32 $0x1, s1  }
0x8c: {  	s17 =	sshll.u32 s0, $0xA;
	s2 =	sadd.s32 s3, s2  }
0x8d: {  	s2 =	sadd.s32 s2, s17  }
0x8e: {  	[smem:$0x3FC5] =	sst s2  }
0x8f: {  	_ = 	snop  }
0x90: {  	s2 =	sld [smem:$0x3FD0];
	(tm) =	ssettm $0x1  }
0x91: {  	s18 =	sld [smem:$0x3FFB];
	_ =	sdelay $0x3  }
0x92: {  	_ =	strace s18  }
0x93: {  	s3 =	sld [smem:$0x3FFC];
	_ =	sdelay $0x3  }
0x94: {  	_ =	strace s3  }
0x95: {  	s3 =	sld [smem:$0x3FFD];
	_ =	sdelay $0x3  }
0x96: {  	_ =	strace s3  }
0x97: {  	_ =	strace $0x8FFFFFFF  }
0x98: {  	s19 =	sld [smem:$0x3FDB];
	_ =	sdelay $0x1  }
0x99: {  	s4 =	simm.s32 $_scs_section_size  }
0x9a: {  	s5 =	simm.s32 $_size__tile_overlayer_lowered;
	s6 =	simm.s32 $_tile_overlayer_lowered  }
0x9b: {  	s22 =	simm.s32 $0x1BFF;
	s21 =	sshll.u32 s6, $0x1;
	s3 =	sadd.s32 s4, s19  }
0x9c: {  	s7 =	simm.s32 $0x0;
	s20 =	sshll.u32 s5, $0x1;
	s5 =	sadd.s32 s21, s3  }
0x9d: {  	[timem:s7], [sflag:s22] =	dma.local [hbm:s5], s20  }
0x9e: {  	_ =	swait.ge [sflag:s22], s20  }
0x9f: {  	s4 =	ssub.s32 $0x0, s20;
	[sflag:s22] =	ssyncset.done $0x0  }
0xa0: {  	[sflag:s22] =	ssyncadd.s32 s4;
	_ =	sdelay $0x1  }
0xa1: {  	s23 =	simm.s32 $0x1B8B  }
0xa2: {  	_ =	swait.ge [sflag:s23], $0x1  }
0xa3: {  	[sflag:s23] =	ssyncset.done $0x0  }
0xa4: {  	s25 =	simm.s32 $0x1B8E;
	s24 =	sld [smem:$0x3FFE];
	[sflag:s23] =	ssyncadd.s32 $0xFFFFFFFF  }
0xa5: {  	s26 =	simm.s32 $execute0_lowered;
	[smem:$0x3FD2] =	sst s25  }
0xa6: {  	s5 =	sshll.u32 s26, $0x1;
	_ =	strace $0x80000046;
	[dreg:$0x1] =	wrdreg $0xFFFFFFFF  }
0xa7: {  	s28 =	simm.s32 $_size_execute0_lowered;
	s3 =	sadd.s32 s3, s5;
	[dreg:$0x0] =	wrdreg $0x0  }
0xa8: {  	s5 =	sshll.u32 s28, $0x1;
	[dreg:$0x2] =	wrdreg s3  }
0xa9: {  	[dreg:$0x3] =	wrdreg s5  }
0xaa: {  	[dreg:$0x4] =	wrdreg $0xC0  }
0xab: {  	_ =	task [dreg:s7], $0x5FFFF  }
0xac: {  	[dreg:$0x1] =	wrdreg $0xFFFFFFFF  }
0xad: {  	[dreg:$0x0] =	wrdreg $0x60  }
0xae: {  	[dreg:$0x2] =	wrdreg s24  }
0xaf: {  	[dreg:$0x3] =	wrdreg s2  }
0xb0: {  	[dreg:$0x4] =	wrdreg $0x9  }
0xb1: {  	_ =	task.clear_ibuf [dreg:s7], $0x5FFFF;
	_ =	strace $0x90000046  }
0xb2: {  	s29 =	simm.s32 $0x9;
	_ =	strace $0x80000048  }
0xb3: {  	_ =	swait.ge [sflag:s29], $0x1  }
0xb4: {  	[sflag:s29] =	ssyncadd.s32 $0xFFFFFFFF  }
0xb5: {  	_ =	strace $0x90000048  }
0xb6: {  	_ =	sfence  }
0xb7: {  	s30 =	sld [smem:$0x0];
	_ =	sdelay $0x2  }
0xb8: {  	s31 =	sshll.u32 s1, $0xD;
	s1 =	sshrl.u32 s1, $0x2  }
0xb9: {  	s3 =	sand.u32 $0x4000, s31;
	s1 =	sadd.s32 s1, s30  }
0xba: {  	s0 =	sor.u32 s3, s0;
	s1 =	sshll.u32 s1, $0x11  }
0xbb: {  	s0 =	sor.u32 s1, s0  }
0xbc: {  	s0 =	sadd.s32 $0x8F2B, s0  }
0xbd: {  	[sflag:s0] =	ssyncadd.remote.s32 $0x1  }
0xbe: {  	_ =	sfence.sel $0xFFFF  }
0xbf: {  	[dreg:$0x0] =	wrdreg $0xFFFFFFFF;
	(pc) =	sbr.abs _section_cstart, $3  }
0xc0: {  	[dreg:$0x1] =	wrdreg $0xFFFFFFFF  }
0xc1: {  	_ =	task.clear_ibuf [dreg:s7], $0x2FFFF;
	_ =	strace $0x9FFFFFFF  }
0xc2: {  	(tm) =	ssettm $0x7FFFFFFF  }
0xc3: {  	_ =	shalt  }
tec
execute0_lowered:
.L_overlay_start_1:
0x0: {  	(tag) =	ssettag $0x1  }
0x1: {  	s0 =	rddreg [dreg:$0x0]  }
0x2: {  	s1 =	rddreg [dreg:$0x1];
	s3 =	simm.s32 $0x0  }
0x3: {  	s2 =	srdreg.scid;
	s5 =	stileid.u32;
	s10 =	simm.s32 $0x2  }
0x4: {  	s11 =	simm.s32 $0x50;
	s12 =	simm.s32 $0x320;
	s13 =	simm.s32 $0xD20  }
0x5: {  	s14 =	simm.s32 $0xA0;
	s15 =	simm.s32 $0x1720;
	s16 =	simm.s32 $0xF0  }
0x6: {  	s17 =	simm.s32 $0x2120;
	s18 =	simm.s32 $0x140;
	s19 =	simm.s32 $0x2B20  }
0x7: {  	s20 =	simm.s32 $0x190;
	s21 =	simm.s32 $0x3520;
	s22 =	simm.s32 $0x1E0  }
0x8: {  	s23 =	simm.s32 $0x3F20;
	s24 =	simm.s32 $0x230;
	s25 =	simm.s32 $0x4920  }
0x9: {  	s28 =	simm.s32 $0x5320;
	s29 =	simm.s32 $0x2D0;
	s30 =	simm.s32 $0x5D20  }
0xa: {  	s31 =	simm.s32 $0x1;
	[smem:$0x7FF] =	sst s3;
	s2 =	sand.u32 $0x1, s2  }
0xb: {  	s4 =	sadd.s32 $0xC00, s0;
	s7 =	sshll.u32 s5, $0x1;
	s6 =	ssub.s32 $0x2, s2  }
0xc: {  	s5 =	sadd.s32 $0xFA7000, s0;
	s0 =	sadd.s32 $0x800, s0;
	s8 =	sshrl.u32 s6, $0x1  }
0xd: {  	_ =	strace $0x80000047;
	s2 =	sor.u32 s2, s7;
	s26 =	ssub.s32 s6, s8  }
0xe: {  	[dreg:$0x3] =	wrdreg s0;
	s7 =	smul.u32 $0x19000, s2;
	s0 =	smax.u32 s26, $0x1  }
0xf: {  	s2 =	simm.s32 $0x0;
	s26 =	simm.s32 $0x280;
	[dreg:$0x4] =	wrdreg s0  }
.LBB2_1:
0x10: {  	[dreg:$0x5] =	wrdreg s2  }
0x11: {  	s0 =	rddreg [dreg:$0x3];
	s9 =	simm.s32 $0x6720  }
0x12: {  	[tilespmem:s9], [sflag:$0x2] =	stream.linear.gather [hbm4b:s0+s3], $0x1900, $0x38;
	[tilespmem:$0x8020] =	vst v63  }
0x13: {  	_ =	swait.ge [sflag:s10], $0x1900  }
0x14: {  	[sflag:s10] =	ssyncset.done $0x0  }
0x15: {  	s2 =	simm.s32 $0x0;
	[sflag:s10] =	ssyncadd.s32 $0xFFFFE700  }
.LBB2_2:
0x16: {  	s6 =	smul.u32 $0x320, s2;
	_ =	sdelay $0x1  }
0x17: {  	s9 =	sadd.s32 s7, s6  }
0x18: {  	s6 =	sshrl.u32 s9, $0x3  }
0x19: {  	s8 =	simm.s32 $0x0;
	s6 =	sadd.s32 s4, s6  }
0x1a: {  	[tilespmem:s8], [sflag:$0x2] =	stream.linear.gather [hbm4b:s6+s8], $0x320, $0x38;
	[tilespmem:$0x8020] =	vst v63  }
0x1b: {  	_ =	swait.ge [sflag:s10], $0x320  }
0x1c: {  	[sflag:s10] =	ssyncset.done $0x0  }
0x1d: {  	[sflag:s10] =	ssyncadd.s32 $0xFFFFFCE0  }
0x1e: {  	[tilespmem:s12], [sflag:$0x1] =	stream.indirect.gather [hbm4b:s5+s11], $0x20, s8, s11, $0xb8;
	[tilespmem:$0x8020] =	vst v63  }
0x1f: {  	_ = 	snop  }
0x20: {  	[tilespmem:s13], [sflag:$0x1] =	stream.indirect.gather [hbm4b:s5+s11], $0x20, s11, s11, $0xb8;
	[tilespmem:$0x8020] =	vst v63  }
0x21: {  	_ = 	snop  }
0x22: {  	[tilespmem:s15], [sflag:$0x1] =	stream.indirect.gather [hbm4b:s5+s11], $0x20, s14, s11, $0xb8;
	[tilespmem:$0x8020] =	vst v63  }
0x23: {  	_ = 	snop  }
0x24: {  	[tilespmem:s17], [sflag:$0x1] =	stream.indirect.gather [hbm4b:s5+s11], $0x20, s16, s11, $0xb8;
	[tilespmem:$0x8020] =	vst v63  }
0x25: {  	_ = 	snop  }
0x26: {  	[tilespmem:s19], [sflag:$0x1] =	stream.indirect.gather [hbm4b:s5+s11], $0x20, s18, s11, $0xb8;
	[tilespmem:$0x8020] =	vst v63  }
0x27: {  	_ = 	snop  }
0x28: {  	[tilespmem:s21], [sflag:$0x1] =	stream.indirect.gather [hbm4b:s5+s11], $0x20, s20, s11, $0xb8;
	[tilespmem:$0x8020] =	vst v63  }
0x29: {  	_ = 	snop  }
0x2a: {  	[tilespmem:s23], [sflag:$0x1] =	stream.indirect.gather [hbm4b:s5+s11], $0x20, s22, s11, $0xb8;
	[tilespmem:$0x8020] =	vst v63  }
0x2b: {  	_ = 	snop  }
0x2c: {  	[tilespmem:s25], [sflag:$0x1] =	stream.indirect.gather [hbm4b:s5+s11], $0x20, s24, s11, $0xb8;
	[tilespmem:$0x8020] =	vst v63  }
0x2d: {  	_ = 	snop  }
0x2e: {  	[tilespmem:s28], [sflag:$0x1] =	stream.indirect.gather [hbm4b:s5+s11], $0x20, s26, s11, $0xb8;
	[tilespmem:$0x8020] =	vst v63  }
0x2f: {  	_ = 	snop  }
0x30: {  	[tilespmem:s30], [sflag:$0x1] =	stream.indirect.gather [hbm4b:s5+s11], $0x20, s29, s11, $0xb8;
	[tilespmem:$0x8020] =	vst v63  }
0x31: {  	_ =	swait.ge [sflag:s31], $0xA00  }
0x32: {  	[sflag:s31] =	ssyncset.done $0x0  }
0x33: {  	[sflag:s31] =	ssyncadd.s32 $0xFFFFF600  }
0x34: {  	_ =	swait.ge [sflag:s31], $0xA00  }
0x35: {  	[sflag:s31] =	ssyncset.done $0x0  }
0x36: {  	[sflag:s31] =	ssyncadd.s32 $0xFFFFF600  }
0x37: {  	_ =	swait.ge [sflag:s31], $0xA00  }
0x38: {  	[sflag:s31] =	ssyncset.done $0x0  }
0x39: {  	[sflag:s31] =	ssyncadd.s32 $0xFFFFF600  }
0x3a: {  	_ =	swait.ge [sflag:s31], $0xA00  }
0x3b: {  	[sflag:s31] =	ssyncset.done $0x0  }
0x3c: {  	[sflag:s31] =	ssyncadd.s32 $0xFFFFF600  }
0x3d: {  	_ =	swait.ge [sflag:s31], $0xA00  }
0x3e: {  	[sflag:s31] =	ssyncset.done $0x0  }
0x3f: {  	[sflag:s31] =	ssyncadd.s32 $0xFFFFF600  }
0x40: {  	_ =	swait.ge [sflag:s31], $0xA00  }
0x41: {  	[sflag:s31] =	ssyncset.done $0x0  }
0x42: {  	[sflag:s31] =	ssyncadd.s32 $0xFFFFF600  }
0x43: {  	_ =	swait.ge [sflag:s31], $0xA00  }
0x44: {  	[sflag:s31] =	ssyncset.done $0x0  }
0x45: {  	[sflag:s31] =	ssyncadd.s32 $0xFFFFF600  }
0x46: {  	_ =	swait.ge [sflag:s31], $0xA00  }
0x47: {  	[sflag:s31] =	ssyncset.done $0x0  }
0x48: {  	[sflag:s31] =	ssyncadd.s32 $0xFFFFF600  }
0x49: {  	_ =	swait.ge [sflag:s31], $0xA00  }
0x4a: {  	[sflag:s31] =	ssyncset.done $0x0  }
0x4b: {  	[sflag:s31] =	ssyncadd.s32 $0xFFFFF600  }
0x4c: {  	_ =	swait.ge [sflag:s31], $0xA00  }
0x4d: {  	[sflag:s31] =	ssyncset.done $0x0  }
0x4e: {  	s6 =	simm.s32 $0x0;
	[sflag:s31] =	ssyncadd.s32 $0xFFFFF600  }
0x4f: {  	v1 =	vld [tilespmem:s6+$0x6720]  }
0x50: {  	v0 =	vld [tilespmem:s6+$0x6730]  }
0x51: {  	v5 =	vld [tilespmem:s6+$0x320]  }
0x52: {  	v7 =	vld [tilespmem:s6+$0x330]  }
0x53: {  	v6 =	vld [tilespmem:s6+$0x1C20]  }
0x54: {  	v3 =	vld [tilespmem:s6+$0x1C30]  }
0x55: {  	v2 =	vld [tilespmem:s6+$0x3520]  }
0x56: {  	v4 =	vld [tilespmem:s6+$0x3530];
	v8 =	vadd.f32 v5, v1  }
0x57: {  	s8 =	simm.s32 $0x80;
	v7 =	vadd.f32 v7, v0;
	v5 =	vld [tilespmem:s6+$0x4E20]  }
.LBB2_3:
0x58: {  	s0 =	sshra.s32 s8, $0x2;
	p0 =	sne.s32 s8, $0x6380;
	[tilespmem:s6+$0x320] =	vst v8;
	v6 =	vadd.f32 v6, v1;
	v8 =	vld [tilespmem:s6+$0x4E30]  }
0x59: {  	v9 =	vld [tilespmem:s0+$0x6720];
	[tilespmem:s6+$0x330] =	vst v7;
	v3 =	vadd.f32 v3, v0  }
0x5a: {  	v7 =	vld [tilespmem:s0+$0x6730];
	[tilespmem:s6+$0x1C20] =	vst v6;
	v2 =	vadd.f32 v2, v1  }
0x5b: {  	v10 =	vld [tilespmem:s0+$0x320];
	[tilespmem:s6+$0x1C30] =	vst v3;
	v3 =	vadd.f32 v4, v0  }
0x5c: {  	v11 =	vld [tilespmem:s0+$0x330];
	[tilespmem:s6+$0x3520] =	vst v2;
	v2 =	vadd.f32 v5, v1  }
.Ltmp0:
0x5d: {  	v6 =	vld [tilespmem:s0+$0x1C20];
	[tilespmem:s6+$0x3530] =	vst v3;
	v4 =	vadd.f32 v8, v0;
	(pc) =	sbr.rel @p0 .LBB2_3-.Ltmp0, $4  }
0x5e: {  	v3 =	vld [tilespmem:s0+$0x1C30];
	[tilespmem:s6+$0x4E20] =	vst v2;
	v1 =	vmov v9  }
0x5f: {  	v2 =	vld [tilespmem:s0+$0x3520];
	[tilespmem:s6+$0x4E30] =	vst v4;
	v0 =	vmov v7;
	s6 =	smov.u32 s0  }
0x60: {  	v8 =	vadd.f32 v10, v1;
	v4 =	vld [tilespmem:s6+$0x3530]  }
0x61: {  	s8 =	sadd.s32 $0x80, s8;
	v7 =	vadd.f32 v11, v0;
	v5 =	vld [tilespmem:s6+$0x4E20]  }
0x62: {  	[tilespmem:s6+$0x320] =	vst v8;
	v6 =	vadd.f32 v6, v1;
	v60 =	vld [tilespmem:s6+$0x4E30]  }
0x63: {  	[tilespmem:s6+$0x330] =	vst v7;
	v3 =	vadd.f32 v3, v0  }
0x64: {  	[tilespmem:s6+$0x1C20] =	vst v6;
	v2 =	vadd.f32 v2, v1  }
0x65: {  	[tilespmem:s6+$0x1C30] =	vst v3;
	v61 =	vadd.f32 v4, v0  }
0x66: {  	[tilespmem:s6+$0x3520] =	vst v2;
	v62 =	vadd.f32 v5, v1  }
0x67: {  	s2 =	sadd.s32 $0x1, s2;
	[tilespmem:s6+$0x3530] =	vst v61;
	v63 =	vadd.f32 v60, v0  }
0x68: {  	s0 =	sshll.u32 s9, $0x2;
	p0 =	sne.s32 s2, $0x80;
	[tilespmem:s6+$0x4E20] =	vst v62  }
.Ltmp1:
0x69: {  	s0 =	sadd.s32 s1, s0;
	[tilespmem:s6+$0x4E30] =	vst v63;
	(pc) =	sbr.rel @p0 .LBB2_2-.Ltmp1, $4  }
0x6a: {  	[hbm4b:s0+s3] =	stream.linear.scatter [tilespmem:s12], [sflag:$0x2], $0x6400, $0x38;
	[tilespmem:$0x8020] =	vst v63  }
0x6b: {  	_ =	swait.ge [sflag:s10], $0x6400  }
0x6c: {  	[sflag:s10] =	ssyncset.done $0x0  }
0x6d: {  	[sflag:s10] =	ssyncadd.s32 $0xFFFF9C00  }
0x6e: {  	s2 =	rddreg [dreg:$0x5]  }
0x6f: {  	s0 =	rddreg [dreg:$0x4];
	s2 =	sadd.s32 $0x1, s2  }
0x70: {  	p0 =	sne.s32 s2, s0  }
.Ltmp2:
0x71: {  	_ = 	snop;
	(pc) =	sbr.rel @p0 .LBB2_1-.Ltmp2, $1  }
0x72: {  	_ =	sdelay $0x3  }
0x73: {  	_ =	sfence.sel $0x180000  }
0x74: {  	[bflag:$0x0] =	sbarrier.arrive $0xFFFF  }
0x75: {  	_ =	strace $0x90000047  }
0x76: {  	s0 =	stileid.u32;
	[bflag:$0x2] =	sbarrier.arrive $0xFFFF  }
0x77: {  	p0 =	sne.s32 s0, $0x0;
	s0 =	rddreg [dreg:$0x2]  }
0x78: {  	s0 =	sadd.s32 @!p0 $0x100000, s0  }
0x79: {  	[sflag:s0] =	ssyncadd.tile.s32 @!p0 $0x1;
	_ =	shalt  }
.Lfunc_end2:
_tile_overlayer_lowered:
.L_overlay_start_2:
0x7a: {  	(tag) =	ssettag $0x2  }
0x7b: {  	s0 =	rddreg [dreg:$0x0];
	s2 =	stileid.u32  }
0x7c: {  	s1 =	rddreg [dreg:$0x1];
	p0 =	sne.s32 s2, $0x0  }
0x7d: {  	s3 =	rddreg [dreg:$0x2];
	[bflag:$0x3] =	sbarrier.arrive $0xFFFF;
	s2 =	simm.s32 @!p0 $0x1C02  }
0x7e: {  	[timem:s3], [sflag:s2] =	dma.local @!p0 [hbm:s0], s1  }
0x7f: {  	s0 =	simm.s32 @!p0 $0x2  }
0x80: {  	_ =	swait.ge @!p0 [sflag:s0], s1  }
0x81: {  	s1 =	ssub.s32 @!p0 $0x0, s1;
	[sflag:s0] =	ssyncset.done @!p0 $0x0  }
0x82: {  	[sflag:s0] =	ssyncadd.s32 @!p0 s1  }
0x83: {  	[bflag:$0x3] =	sbarrier.arrive $0xFFFF  }
0x84: {  	_ =	shalt  }

// kernel: sparse-core-data-format-call.cloned.1.call-start
scs
called_computation_lowered:
.L_overlay_start_0:
0x0: {  	s2 =	sld [smem:$0x3FD9]  }
0x1: {  	s3 =	sld [smem:$0x3FFE];
	_ =	sdelay $0x1  }
0x2: {  	s1 =	srdreg.scid  }
0x3: {  	s0 =	sand.u32 $0x1, s1  }
0x4: {  	s18 =	sshll.u32 s0, $0xA;
	s2 =	sadd.s32 s3, s2  }
0x5: {  	s2 =	sadd.s32 s2, s18  }
0x6: {  	[smem:$0x3FC5] =	sst s2  }
0x7: {  	_ = 	snop  }
0x8: {  	s2 =	sld [smem:$0x3FD0];
	(tm) =	ssettm $0x1  }
0x9: {  	s19 =	sld [smem:$0x3FFB];
	_ =	sdelay $0x3  }
0xa: {  	_ =	strace s19  }
0xb: {  	s3 =	sld [smem:$0x3FFC];
	_ =	sdelay $0x3  }
0xc: {  	_ =	strace s3  }
0xd: {  	s3 =	sld [smem:$0x3FFD];
	_ =	sdelay $0x3  }
0xe: {  	_ =	strace s3  }
0xf: {  	_ =	strace $0x8FFFFFFF  }
0x10: {  	s20 =	sld [smem:$0x3FDB];
	_ =	sdelay $0x1  }
0x11: {  	s4 =	simm.s32 $_scs_section_size  }
0x12: {  	s5 =	simm.s32 $_size__tile_overlayer_lowered;
	s6 =	simm.s32 $_tile_overlayer_lowered  }
0x13: {  	s23 =	simm.s32 $0x1BFF;
	s22 =	sshll.u32 s6, $0x1;
	s3 =	sadd.s32 s4, s20  }
0x14: {  	s7 =	simm.s32 $0x0;
	s21 =	sshll.u32 s5, $0x1;
	s5 =	sadd.s32 s22, s3  }
0x15: {  	[timem:s7], [sflag:s23] =	dma.local [hbm:s5], s21  }
0x16: {  	_ =	swait.ge [sflag:s23], s21  }
0x17: {  	s4 =	ssub.s32 $0x0, s21;
	[sflag:s23] =	ssyncset.done $0x0  }
0x18: {  	[sflag:s23] =	ssyncadd.s32 s4;
	_ =	sdelay $0x1  }
0x19: {  	s24 =	simm.s32 $0x1B8B  }
0x1a: {  	_ =	swait.ge [sflag:s24], $0x1  }
0x1b: {  	[sflag:s24] =	ssyncset.done $0x0  }
0x1c: {  	s26 =	simm.s32 $0x1B8E;
	s25 =	sld [smem:$0x3FFE];
	[sflag:s24] =	ssyncadd.s32 $0xFFFFFFFF  }
0x1d: {  	s27 =	simm.s32 $execute0_lowered;
	[smem:$0x3FD2] =	sst s26  }
0x1e: {  	s5 =	sshll.u32 s27, $0x1;
	_ =	strace $0x80000049;
	[dreg:$0x1] =	wrdreg $0xFFFFFFFF  }
0x1f: {  	s28 =	simm.s32 $_size_execute0_lowered;
	s3 =	sadd.s32 s3, s5;
	[dreg:$0x0] =	wrdreg $0x0  }
0x20: {  	s5 =	sshll.u32 s28, $0x1;
	[dreg:$0x2] =	wrdreg s3  }
0x21: {  	[dreg:$0x3] =	wrdreg s5  }
0x22: {  	[dreg:$0x4] =	wrdreg $0xC0  }
0x23: {  	_ =	task [dreg:s7], $0x5FFFF  }
0x24: {  	[dreg:$0x1] =	wrdreg $0xFFFFFFFF  }
0x25: {  	[dreg:$0x0] =	wrdreg $0x60  }
0x26: {  	[dreg:$0x2] =	wrdreg s25  }
0x27: {  	[dreg:$0x3] =	wrdreg s2  }
0x28: {  	[dreg:$0x4] =	wrdreg $0x9  }
0x29: {  	_ =	task.clear_ibuf [dreg:s7], $0x5FFFF;
	_ =	strace $0x90000049  }
0x2a: {  	s29 =	simm.s32 $0x9;
	_ =	strace $0x8000004B  }
0x2b: {  	_ =	swait.ge [sflag:s29], $0x1  }
0x2c: {  	[sflag:s29] =	ssyncadd.s32 $0xFFFFFFFF  }
0x2d: {  	_ =	strace $0x9000004B  }
0x2e: {  	_ =	sfence  }
0x2f: {  	s30 =	sld [smem:$0x0];
	_ =	sdelay $0x2  }
0x30: {  	s31 =	sshll.u32 s1, $0xD;
	s1 =	sshrl.u32 s1, $0x2  }
0x31: {  	s3 =	sand.u32 $0x4000, s31;
	s1 =	sadd.s32 s1, s30  }
0x32: {  	s0 =	sor.u32 s3, s0;
	s1 =	sshll.u32 s1, $0x11  }
0x33: {  	s0 =	sor.u32 s1, s0  }
0x34: {  	s0 =	sadd.s32 $0x8F2B, s0  }
0x35: {  	[sflag:s0] =	ssyncadd.remote.s32 $0x1  }
0x36: {  	_ =	sfence.sel $0xFFFF  }
0x37: {  	[dreg:$0x0] =	wrdreg $0xFFFFFFFF;
	(pc) =	sbr.abs _section_cstart, $3  }
0x38: {  	[dreg:$0x1] =	wrdreg $0xFFFFFFFF  }
0x39: {  	_ =	task.clear_ibuf [dreg:s7], $0x2FFFF;
	_ =	strace $0x9FFFFFFF  }
0x3a: {  	(tm) =	ssettm $0x7FFFFFFF  }
0x3b: {  	_ =	shalt  }
tec
execute0_lowered:
.L_overlay_start_1:
0x0: {  	(tag) =	ssettag $0x1  }
0x1: {  	s0 =	srdreg.scid  }
0x2: {  	s1 =	sshll.u32 s0, $0x4  }
0x3: {  	s0 =	stileid.u32;
	s1 =	sand.u32 $0x10, s1  }
0x4: {  	s1 =	sor.u32 s0, s1  }
0x5: {  	s6 =	rddreg [dreg:$0x0];
	s4 =	simm.s32 $0x1;
	s2 =	sshll.u32 s1, $0x7  }
0x6: {  	s7 =	simm.s32 $0x2;
	s12 =	simm.s32 $0x0;
	s1 =	ssub.s32 $0x4000, s2  }
0x7: {  	s8 =	simm.s32 $0x20000;
	s13 =	simm.s32 $0x0;
	s3 =	sand.u32 $0xF80, s1  }
0x8: {  	s9 =	simm.s32 $0x0;
	s5 =	sshrl.u32 s1, $0xC;
	p0 =	sne.s32 s3, $0x0  }
.Ltmp0:
0x9: {  	s1 =	rddreg [dreg:$0x2];
	s4 =	simm.s32 @!p0 $0x0;
	(pc) =	sbr.rel .LBB1_1-.Ltmp0, $4  }
0xa: {  	s11 =	simm.s32 $0x0;
	s3 =	rddreg [dreg:$0x1];
	s5 =	sadd.s32 s4, s5  }
0xb: {  	_ =	strace $0x8000004A;
	s4 =	simm.s32 $0x1;
	s5 =	smul.u32 $0xC8, s5  }
0xc: {  	s6 =	sadd.s32 $0x800, s6;
	s10 =	smov.u32 s2;
	[sflag:s4] =	ssyncpa.u1 $0x0  }
0xd: {  	p0 =	por $0x0, $0x0;
	[sflag:s7] =	ssyncpa.u1 $0x0;
	s7 =	sor.u32 $0x1, s5  }
.LBB1_4:
0xe: {  	s16 =	sshll.u32 s13, $0x3;
	s17 =	sand.u32 $0x78, s13  }
0xf: {  	s30 =	sand.u32 $0xF800, s13;
	s12 =	sshll.u32 s12, $0x10;
	s16 =	sand.u32 $0x3C00, s16  }
0x10: {  	s31 =	sand.u32 $0x7, s13;
	s16 =	sor.u32 s17, s16;
	s17 =	sadd.s32 s3, s30  }
0x11: {  	s13 =	sshll.u32 s31, $0x12;
	s16 =	sshrl.u32 s16, $0x3;
	s12 =	sadd.s32 s12, s17  }
0x12: {  	[tilespmem:s15+$0x0 ss:$0x81] =	vst.msk $0xffff, v0;
	s13 =	sor.u32 $0x400, s13;
	s12 =	sadd.s32 s16, s12  }
0x13: {  	[hbm4b:s12+s13] =	stream.strided.scatter [tilespmem:s14], [sflag:$0x2], $0x1000, s8, s13, $0x20;
	[tilespmem:$0x4040] =	vst v63  }
.LBB1_5:
0x14: {  	s14 =	sadd.s32 $0x1, s9  }
0x15: {  	s12 =	sadd.s32 $0x1000, s10;
	s16 =	smov.u32 s10;
	p2 =	sgt.s32 s14, $0xC7  }
0x16: {  	s16 =	smov.u32 @p2 s12  }
0x17: {  	s14 =	simm.s32 @p2 $0x0;
	p2 =	sgt.s32 s16, $0x3FFF  }
0x18: {  	s16 =	smov.u32 @p2 s2;
	p2 =	sne.s32 s11, s7  }
.Ltmp1:
0x19: {  	p1 =	slt.u32 s11, $0x2;
	(pc) =	sbr.rel @!p2 .LBB1_6-.Ltmp1, $4  }
0x1a: {  	s15 =	simm.s32 @!p1 $0x2  }
0x1b: {  	s13 =	smov.u32 s10;
	p0 =	por !p0, !p0;
	_ =	swait.ge @!p1 [sflag:s15], $0x1000  }
0x1c: {  	s12 =	smov.u32 s9;
	[sflag:s15] =	ssyncset.done @!p1 $0x0;
	s9 =	smov.u32 s14  }
0x1d: {  	s11 =	sadd.s32 $0x1, s11;
	[sflag:s15] =	ssyncadd.s32 @!p1 $0xFFFFF000;
	s10 =	smov.u32 s16  }
.LBB1_1:
0x1e: {  	p1 =	sge.u32 s11, s5  }
0x1f: {  	s14 =	sand.u32 @!p1 $0x1FFFFFF, s9  }
0x20: {  	s15 =	smulhi.u32 @!p1 $0x147AE15, s14;
	_ =	sdelay $0x1  }
0x21: {  	s15 =	smul.u32 @!p1 $0xC8, s15  }
0x22: {  	s16 =	sxor.u32 @!p1 $0xFFFFFFFF, s11;
	s17 =	smul.u32 @!p1 $0xC80, s10  }
0x23: {  	s31 =	sadd.s32 $0xFFFFFFFF, s11;
	s16 =	sshll.u32 @!p1 s16, $0xC;
	s14 =	ssub.s32 @!p1 s14, s15  }
0x24: {  	s15 =	sand.u32 @!p1 $0x1000, s16;
	s16 =	sadd.s32 @!p1 s6, s17;
	s14 =	sshll.u32 @!p1 s14, $0x4  }
0x25: {  	s17 =	simm.s32 @!p1 $0x6400;
	s14 =	sadd.s32 @!p1 s14, s16;
	s16 =	simm.s32 @!p1 $0x20  }
0x26: {  	[tilespmem:s15], [sflag:$0x1] =	stream.strided.gather @!p1 [hbm4b:s14+s16], $0x1000, s17, s16, $0x38;
	[tilespmem:$0x4040] =	vst v63  }
0x27: {  	p1 =	sge.u32 s31, s5  }
.Ltmp2:
0x28: {  	_ = 	snop;
	(pc) =	sbr.rel @p1 .LBB1_5-.Ltmp2, $1  }
0x29: {  	_ =	sdelay $0x3  }
0x2a: {  	s14 =	simm.s32 $0x1  }
0x2b: {  	_ =	swait.ge [sflag:s4], $0x1000;
	s14 =	simm.s32 @!p0 $0x0  }
0x2c: {  	[sflag:s4] =	ssyncset.done $0x0;
	s15 =	sshll.u32 s14, $0xC  }
0x2d: {  	[sflag:s4] =	ssyncadd.s32 $0xFFFFF000;
	s18 =	sor.u32 $0x10, s15  }
0x2e: {  	s14 =	smul.u32 $0x4080, s14;
	v1 =	vld [tilespmem:s18+$0x0]  }
0x2f: {  	s30 =	sand.u32 $0x1, s11;
	v0 =	vld [tilespmem:s18+$0xFFFFFFF0]  }
0x30: {  	s15 =	smul.u32 $0x4080, s30;
	s14 =	sshrl.u32 s14, $0x2  }
0x31: {  	s16 =	sor.u32 $0x2000, s14  }
0x32: {  	s31 =	sshrl.u32 s15, $0x2;
	s15 =	sadd.s32 $0x0, s16  }
0x33: {  	s17 =	simm.s32 $0x4;
	s18 =	sadd.s32 $0x20, s18;
	s14 =	sor.u32 $0x2000, s31;
	[tilespmem:s15+$0x810 ss:$0x81] =	vst.msk $0xffff, v1  }
.LBB1_3:
0x34: {  	v1 =	vld [tilespmem:s18+$0x0];
	p1 =	sne.s32 s17, $0x1FC;
	[tilespmem:s15+$0x0 ss:$0x81] =	vst.msk $0xffff, v0;
	s15 =	smov.u32 s17;
	s17 =	sadd.s32 $0x4, s17  }
.Ltmp3:
0x35: {  	v0 =	vld [tilespmem:s18+$0xFFFFFFF0];
	(pc) =	sbr.rel @p1 .LBB1_3-.Ltmp3, $4  }
0x36: {  	_ = 	snop  }
0x37: {  	s15 =	sshra.s32 s15, $0x2  }
0x38: {  	s15 =	sadd.s32 s15, s16  }
0x39: {  	s18 =	sadd.s32 $0x20, s18;
	[tilespmem:s15+$0x810 ss:$0x81] =	vst.msk $0xffff, v1  }
.Ltmp4:
0x3a: {  	_ = 	snop;
	(pc) =	sbr.rel .LBB1_4-.Ltmp4, $1  }
0x3b: {  	_ =	sdelay $0x3  }
.LBB1_6:
0x3c: {  	_ =	sfence.sel $0x180000  }
0x3d: {  	s2 =	simm.s32 $0x1;
	[bflag:$0x0] =	sbarrier.arrive $0xFFFF  }
0x3e: {  	s31 =	simm.s32 $0x2;
	[sflag:s2] =	ssyncpa.u1 $0x1  }
0x3f: {  	[sflag:s31] =	ssyncpa.u1 $0x1  }
0x40: {  	p0 =	sne.s32 s0, $0x0;
	_ =	strace $0x9000004A  }
0x41: {  	s0 =	sadd.s32 @!p0 $0x100000, s1;
	[bflag:$0x2] =	sbarrier.arrive $0xFFFF  }
0x42: {  	[sflag:s0] =	ssyncadd.tile.s32 @!p0 $0x1;
	_ =	shalt  }
.Lfunc_end1:
_tile_overlayer_lowered:
.L_overlay_start_2:
0x43: {  	(tag) =	ssettag $0x2  }
0x44: {  	s0 =	rddreg [dreg:$0x0];
	s2 =	stileid.u32  }
0x45: {  	s1 =	rddreg [dreg:$0x1];
	p0 =	sne.s32 s2, $0x0  }
0x46: {  	s3 =	rddreg [dreg:$0x2];
	[bflag:$0x3] =	sbarrier.arrive $0xFFFF;
	s2 =	simm.s32 @!p0 $0x1C01  }
0x47: {  	[timem:s3], [sflag:s2] =	dma.local @!p0 [hbm:s0], s1  }
0x48: {  	s0 =	simm.s32 @!p0 $0x1  }
0x49: {  	_ =	swait.ge @!p0 [sflag:s0], s1  }
0x4a: {  	s1 =	ssub.s32 @!p0 $0x0, s1;
	[sflag:s0] =	ssyncset.done @!p0 $0x0  }
0x4b: {  	[sflag:s0] =	ssyncadd.s32 @!p0 s1  }
0x4c: {  	[bflag:$0x3] =	sbarrier.arrive $0xFFFF  }
0x4d: {  	_ =	shalt  }

</sc_bundles>
